<compile_context>
chip_gen: v7x
topology: tpu7x:2x2x1
jax: 0.10.2.dev20260603
libtpu: 0.0.44.dev20260713+nightly
codegen_flags: <defaults>
</compile_context>

<pallas_src>
import jax
import jax.numpy as jnp
import numpy as np
from jax.experimental import pallas as pl

VOXEL_SIZE = np.array([0.05, 0.05, 0.1], dtype=np.float32)
PC_RANGE = np.array([0.0, -40.0, -3.0, 70.4, 40.0, 1.0], dtype=np.float32)
MAX_VOXELS = 20000
MAX_OCCUPANCY = 5
GRID_SIZE = np.round((PC_RANGE[3:] - PC_RANGE[:3]) / VOXEL_SIZE).astype(np.int32)
GX, GY, GZ = int(GRID_SIZE[0]), int(GRID_SIZE[1]), int(GRID_SIZE[2])
BIG = GX * GY * GZ


def _vid_kernel(p_ref, vid_ref):
    p = p_ref[0]
    cx = jnp.floor((p[0, :] - float(PC_RANGE[0])) / float(VOXEL_SIZE[0])).astype(jnp.int32)
    cy = jnp.floor((p[1, :] - float(PC_RANGE[1])) / float(VOXEL_SIZE[1])).astype(jnp.int32)
    cz = jnp.floor((p[2, :] - float(PC_RANGE[2])) / float(VOXEL_SIZE[2])).astype(jnp.int32)
    valid = ((cx >= 0) & (cx < GX) & (cy >= 0) & (cy < GY)
             & (cz >= 0) & (cz < GZ))
    vid = (cz * GY + cy) * GX + cx
    vid_ref[0, 0, :] = jnp.where(valid, vid, BIG)


def _compute_vids(points):
    B, Np, _ = points.shape
    pt = jnp.transpose(points, (0, 2, 1))
    out = pl.pallas_call(
        _vid_kernel,
        grid=(B,),
        in_specs=[pl.BlockSpec((1, 4, Np), lambda i: (i, 0, 0))],
        out_specs=pl.BlockSpec((1, 1, Np), lambda i: (i, 0, 0)),
        out_shape=jax.ShapeDtypeStruct((B, 1, Np), jnp.int32),
    )(pt)
    return out.reshape(B, Np)


def _post_one(sp, svid):
    Np = sp.shape[0]
    svalid = svid < BIG
    is_new = jnp.concatenate([jnp.array([True]), svid[1:] != svid[:-1]]) & svalid
    slot = jnp.cumsum(is_new.astype(jnp.int32)) - 1
    idx = jnp.arange(Np, dtype=jnp.int32)
    seg_start = jax.lax.cummax(jnp.where(is_new, idx, -1), axis=0)
    rank = idx - seg_start
    keep = svalid & (slot >= 0) & (slot < MAX_VOXELS) & (rank < MAX_OCCUPANCY)
    slot_w = jnp.where(keep, slot, MAX_VOXELS)
    rank_w = jnp.where(keep, rank, MAX_OCCUPANCY)
    features = jnp.zeros((MAX_VOXELS, MAX_OCCUPANCY, sp.shape[1]), dtype=sp.dtype)
    features = features.at[slot_w, rank_w].set(sp, mode='drop')
    occupancy = jnp.zeros((MAX_VOXELS,), dtype=jnp.int32).at[slot_w].add(
        keep.astype(jnp.int32), mode='drop')
    cz = svid // (GX * GY)
    cy = (svid // GX) % GY
    cx = svid % GX
    coords_pt = jnp.stack([cz, cy, cx], axis=1)
    first_slot = jnp.where(is_new & (slot < MAX_VOXELS), slot, MAX_VOXELS)
    coordinates = jnp.zeros((MAX_VOXELS, 3), dtype=jnp.int32).at[first_slot].set(
        coords_pt.astype(jnp.int32), mode='drop')
    return features, coordinates, occupancy


def kernel(points):
    B, Np, _ = points.shape
    vids = _compute_vids(points)
    iota = jnp.broadcast_to(jnp.arange(Np, dtype=jnp.int32), (B, Np))
    svid, order = jax.lax.sort([vids, iota], num_keys=1, is_stable=True,
                               dimension=-1)
    sp = jnp.take_along_axis(points, order[..., None], axis=1)
    features, coords, occupancy = jax.vmap(_post_one)(sp, svid)
    bcol = jnp.broadcast_to(
        jnp.arange(B, dtype=jnp.int32)[:, None, None], (B, MAX_VOXELS, 1))
    coordinates = jnp.concatenate([bcol, coords], axis=-1)
    return (points,
            features.reshape(B * MAX_VOXELS, MAX_OCCUPANCY, points.shape[2]),
            coordinates.reshape(B * MAX_VOXELS, 4),
            occupancy.reshape(B * MAX_VOXELS))

# --- scband reference (transcript-rebuilt; emitter-appended) ---
"""Pipeline reference for scband-preprocessor-42417097016352 (READ-ONLY COPY).

The authoritative reference and input builder live on the scoring server;
editing this copy changes nothing except your own understanding.
"""

import jax, jax.numpy as jnp
import numpy as np

VOXEL_SIZE = np.array([0.05, 0.05, 0.1], dtype=np.float32)
PC_RANGE = np.array([0.0, -40.0, -3.0, 70.4, 40.0, 1.0], dtype=np.float32)
MAX_VOXELS = 20000
MAX_OCCUPANCY = 5
GRID_SIZE = np.round((PC_RANGE[3:] - PC_RANGE[:3]) / VOXEL_SIZE).astype(np.int32)  # (1408, 1600, 40)
GX, GY, GZ = int(GRID_SIZE[0]), int(GRID_SIZE[1]), int(GRID_SIZE[2])
BIG = GX * GY * GZ  # sentinel linear voxel id for out-of-range points (~9.0e7, fits int32)


def setup_inputs(seed: int = 0) -> dict:
    key = jax.random.key(seed)
    B, Np = 8, 131072
    u = jax.random.uniform(key, (B, Np, 4), dtype=jnp.float32)
    lo = jnp.asarray([PC_RANGE[0], PC_RANGE[1], PC_RANGE[2], 0.0], dtype=jnp.float32)
    hi = jnp.asarray([PC_RANGE[3], PC_RANGE[4], PC_RANGE[5], 1.0], dtype=jnp.float32)
    points = lo + u * (hi - lo)  # (x, y, z, intensity) in lidar range
    return {"points": points}


def _voxelize_one(p):
    """JAX analogue of spconv.utils.VoxelGenerator.generate for one cloud.
    Returns fixed-size (MAX_VOXELS, ...) buffers; unused voxel slots are zero."""
    Np = p.shape[0]
    lower = jnp.asarray(PC_RANGE[:3])
    vsize = jnp.asarray(VOXEL_SIZE)
    c = jnp.floor((p[:, :3] - lower) / vsize).astype(jnp.int32)
    grid = jnp.asarray([GX, GY, GZ], dtype=jnp.int32)
    valid = jnp.all((c >= 0) & (c < grid), axis=1)
    vid = (c[:, 2] * GY + c[:, 1]) * GX + c[:, 0]
    vid = jnp.where(valid, vid, BIG)
    # histogram-binning core: sort points by voxel bin id
    order = jnp.argsort(vid)
    svid = vid[order]
    sp = p[order]
    svalid = svid < BIG
    is_new = jnp.concatenate([jnp.array([True]), svid[1:] != svid[:-1]]) & svalid
    slot = jnp.cumsum(is_new.astype(jnp.int32)) - 1  # dense voxel index per point
    idx = jnp.arange(Np, dtype=jnp.int32)
    seg_start = jax.lax.cummax(jnp.where(is_new, idx, -1), axis=0)
    rank = idx - seg_start  # rank of point within its voxel
    keep = svalid & (slot >= 0) & (slot < MAX_VOXELS) & (rank < MAX_OCCUPANCY)
    slot_w = jnp.where(keep, slot, MAX_VOXELS)
    rank_w = jnp.where(keep, rank, MAX_OCCUPANCY)
    features = jnp.zeros((MAX_VOXELS, MAX_OCCUPANCY, p.shape[1]), dtype=p.dtype)
    features = features.at[slot_w, rank_w].set(sp, mode='drop')
    occupancy = jnp.zeros((MAX_VOXELS,), dtype=jnp.int32).at[slot_w].add(
        keep.astype(jnp.int32), mode='drop')
    cz = svid // (GX * GY)
    cy = (svid // GX) % GY
    cx = svid % GX
    coords_pt = jnp.stack([cz, cy, cx], axis=1)  # spconv zyx coordinate order
    first_slot = jnp.where(is_new & (slot < MAX_VOXELS), slot, MAX_VOXELS)
    coordinates = jnp.zeros((MAX_VOXELS, 3), dtype=jnp.int32).at[first_slot].set(
        coords_pt.astype(jnp.int32), mode='drop')
    return features, coordinates, occupancy


def reference(points):
    B = points.shape[0]
    feats, coords, occs = [], [], []
    for i in range(B):
        f, c, o = _voxelize_one(points[i])
        # prefix batch index, as in generate_batch_voxels: np.pad(c, ((0,0),(1,0)), constant_values=i)
        c = jnp.pad(c, ((0, 0), (1, 0)), constant_values=i)
        feats.append(f)
        coords.append(c)
        occs.append(o)
    features = jnp.concatenate(feats, axis=0)
    coordinates = jnp.concatenate(coords, axis=0)
    occupancy = jnp.concatenate(occs, axis=0)
    # pad_for_batch: all clouds have identical length here, so pad=0 and it is the identity
    points_out = points
    return points_out, features, coordinates, occupancy

if __name__ == "__main__":
    import jax
    _d = setup_inputs()
    print(jax.jit(kernel)(*tuple(_d.values())))

</pallas_src>

<mosaic_0001>
module attributes {stable_mosaic.version = 14 : i64} {
  func.func @_vid_kernel(%arg0: i32, %arg1: memref<1x4x131072xf32, #tpu.memory_space<vmem>>, %arg2: memref<1x1x131072xi32, #tpu.memory_space<vmem>>) attributes {dimension_semantics = [#tpu.dimension_semantics<arbitrary>], iteration_bounds = array<i64: 8>, scalar_prefetch = 0 : i64, scratch_operands = 0 : i64, tpu.core_type = #tpu.core_type<tc>, window_params = [{transform_indices = @transform_0, window_bounds = array<i64: 1, 4, 131072>}, {transform_indices = @transform_1, window_bounds = array<i64: 1, 1, 131072>}]} {
    %get3A = arith.constant 0 : index
    %get3A_0 = arith.constant 0 : index
    %get3A_1 = arith.constant 0 : index
    %get3A_2 = vector.load %arg1[%get3A, %get3A_0, %get3A_1] : memref<1x4x131072xf32, #tpu.memory_space<vmem>>, vector<1x4x131072xf32>
    %get3A_3 = vector.shape_cast %get3A_2 : vector<1x4x131072xf32> to vector<4x131072xf32>
    %slice3A = vector.extract_strided_slice %get3A_3 {offsets = [0, 0], sizes = [1, 131072], strides = [1, 1]} : vector<4x131072xf32> to vector<1x131072xf32>
    %squeeze3A = vector.shape_cast %slice3A : vector<1x131072xf32> to vector<131072xf32>
    %sub3A = arith.constant 0.000000e+00 : f32
    %sub3A_4 = vector.broadcast %sub3A : f32 to vector<131072xf32>
    %sub3A_5 = arith.subf %squeeze3A, %sub3A_4 : vector<131072xf32>
    %div3A = arith.constant 5.000000e-02 : f32
    %div3A_6 = vector.broadcast %div3A : f32 to vector<131072xf32>
    %div3A_7 = arith.divf %sub3A_5, %div3A_6 : vector<131072xf32>
    %floor3A = math.floor %div3A_7 : vector<131072xf32>
    %convert_element_type3A = arith.fptosi %floor3A : vector<131072xf32> to vector<131072xi32>
    %slice3A_8 = vector.extract_strided_slice %get3A_3 {offsets = [1, 0], sizes = [1, 131072], strides = [1, 1]} : vector<4x131072xf32> to vector<1x131072xf32>
    %squeeze3A_9 = vector.shape_cast %slice3A_8 : vector<1x131072xf32> to vector<131072xf32>
    %sub3A_10 = arith.constant -4.000000e+01 : f32
    %sub3A_11 = vector.broadcast %sub3A_10 : f32 to vector<131072xf32>
    %sub3A_12 = arith.subf %squeeze3A_9, %sub3A_11 : vector<131072xf32>
    %div3A_13 = arith.constant 5.000000e-02 : f32
    %div3A_14 = vector.broadcast %div3A_13 : f32 to vector<131072xf32>
    %div3A_15 = arith.divf %sub3A_12, %div3A_14 : vector<131072xf32>
    %floor3A_16 = math.floor %div3A_15 : vector<131072xf32>
    %convert_element_type3A_17 = arith.fptosi %floor3A_16 : vector<131072xf32> to vector<131072xi32>
    %slice3A_18 = vector.extract_strided_slice %get3A_3 {offsets = [2, 0], sizes = [1, 131072], strides = [1, 1]} : vector<4x131072xf32> to vector<1x131072xf32>
    %squeeze3A_19 = vector.shape_cast %slice3A_18 : vector<1x131072xf32> to vector<131072xf32>
    %sub3A_20 = arith.constant -3.000000e+00 : f32
    %sub3A_21 = vector.broadcast %sub3A_20 : f32 to vector<131072xf32>
    %sub3A_22 = arith.subf %squeeze3A_19, %sub3A_21 : vector<131072xf32>
    %div3A_23 = arith.constant 1.000000e-01 : f32
    %div3A_24 = vector.broadcast %div3A_23 : f32 to vector<131072xf32>
    %div3A_25 = arith.divf %sub3A_22, %div3A_24 : vector<131072xf32>
    %floor3A_26 = math.floor %div3A_25 : vector<131072xf32>
    %convert_element_type3A_27 = arith.fptosi %floor3A_26 : vector<131072xf32> to vector<131072xi32>
    %ge3A = arith.constant 0 : i32
    %ge3A_28 = vector.broadcast %ge3A : i32 to vector<131072xi32>
    %ge3A_29 = arith.cmpi sge, %convert_element_type3A, %ge3A_28 : vector<131072xi32>
    %lt3A = arith.constant 1408 : i32
    %lt3A_30 = vector.broadcast %lt3A : i32 to vector<131072xi32>
    %lt3A_31 = arith.cmpi slt, %convert_element_type3A, %lt3A_30 : vector<131072xi32>
    %and3A = arith.andi %ge3A_29, %lt3A_31 : vector<131072xi1>
    %ge3A_32 = arith.constant 0 : i32
    %ge3A_33 = vector.broadcast %ge3A_32 : i32 to vector<131072xi32>
    %ge3A_34 = arith.cmpi sge, %convert_element_type3A_17, %ge3A_33 : vector<131072xi32>
    %and3A_35 = arith.andi %and3A, %ge3A_34 : vector<131072xi1>
    %lt3A_36 = arith.constant 1600 : i32
    %lt3A_37 = vector.broadcast %lt3A_36 : i32 to vector<131072xi32>
    %lt3A_38 = arith.cmpi slt, %convert_element_type3A_17, %lt3A_37 : vector<131072xi32>
    %and3A_39 = arith.andi %and3A_35, %lt3A_38 : vector<131072xi1>
    %ge3A_40 = arith.constant 0 : i32
    %ge3A_41 = vector.broadcast %ge3A_40 : i32 to vector<131072xi32>
    %ge3A_42 = arith.cmpi sge, %convert_element_type3A_27, %ge3A_41 : vector<131072xi32>
    %and3A_43 = arith.andi %and3A_39, %ge3A_42 : vector<131072xi1>
    %lt3A_44 = arith.constant 40 : i32
    %lt3A_45 = vector.broadcast %lt3A_44 : i32 to vector<131072xi32>
    %lt3A_46 = arith.cmpi slt, %convert_element_type3A_27, %lt3A_45 : vector<131072xi32>
    %and3A_47 = arith.andi %and3A_43, %lt3A_46 : vector<131072xi1>
    %mul3A = arith.constant 1600 : i32
    %mul3A_48 = vector.broadcast %mul3A : i32 to vector<131072xi32>
    %mul3A_49 = arith.muli %convert_element_type3A_27, %mul3A_48 : vector<131072xi32>
    %add3A = arith.addi %mul3A_49, %convert_element_type3A_17 : vector<131072xi32>
    %mul3A_50 = arith.constant 1408 : i32
    %mul3A_51 = vector.broadcast %mul3A_50 : i32 to vector<131072xi32>
    %mul3A_52 = arith.muli %add3A, %mul3A_51 : vector<131072xi32>
    %add3A_53 = arith.addi %mul3A_52, %convert_element_type3A : vector<131072xi32>
    %jit3A = arith.constant 90112000 : i32
    %broadcast_in_dim3A = vector.broadcast %jit3A : i32 to vector<131072xi32>
    %select_n3A = arith.select %and3A_47, %add3A_53, %broadcast_in_dim3A : vector<131072xi1>, vector<131072xi32>
    %swap3A = arith.constant 0 : index
    %swap3A_54 = arith.constant 0 : index
    %swap3A_55 = arith.constant 0 : index
    %swap3A_56 = vector.load %arg2[%swap3A, %swap3A_54, %swap3A_55] : memref<1x1x131072xi32, #tpu.memory_space<vmem>>, vector<1x1x131072xi32>
    %swap3A_57 = vector.shape_cast %swap3A_56 : vector<1x1x131072xi32> to vector<131072xi32>
    %swap3A_58 = vector.shape_cast %select_n3A : vector<131072xi32> to vector<1x1x131072xi32>
    tpu.vector_store %arg2[%swap3A, %swap3A_54, %swap3A_55], %swap3A_58 {strides = array<i32>} : memref<1x1x131072xi32, #tpu.memory_space<vmem>>, vector<1x1x131072xi32>,
    return
  }
  func.func @transform_0(%arg0: i32) -> (i32, i32, i32) {
    %c0_i32 = arith.constant 0 : i32
    %c0_i32_0 = arith.constant 0 : i32
    %c0_i32_1 = arith.constant 0 : i32
    return %arg0, %c0_i32, %c0_i32_0 : i32, i32, i32
  }
  func.func @transform_1(%arg0: i32) -> (i32, i32, i32) {
    %c0_i32 = arith.constant 0 : i32
    %c0_i32_0 = arith.constant 0 : i32
    %c0_i32_1 = arith.constant 0 : i32
    return %arg0, %c0_i32, %c0_i32_0 : i32, i32, i32
  }
}

</mosaic_0001>

<sc_bundles>
// kernel: gather_offload_async_start
scs
__scs_entry_jumppad:
0x0: {  	(pc) =	sbr.rel $0x88, $3  }
0x1: {  	(tag) =	ssettag $0x0;
	lr =	simm.s32 $0x1  }
0x2: {  	[smem:$0x3FA0] =	sst lr;
	_ =	strace $0xD0000000  }
0x3: {  	_ = 	snop  }
0x4: {  	_ = 	snop  }
0x5: {  	_ = 	snop  }
0x6: {  	_ = 	snop  }
0x7: {  	_ = 	snop  }
__scs_overlays_trampoline_lowered:
0x8: {  	[smem:$0x3FAF] =	sst s0  }
0x9: {  	[smem:$0x3FB0] =	sst s1  }
0xa: {  	[smem:$0x3FB1] =	sst s2  }
0xb: {  	[smem:$0x3FB2] =	sst s3  }
0xc: {  	[smem:$0x3FB3] =	sst s4  }
0xd: {  	[smem:$0x3FB4] =	sst s5  }
0xe: {  	[smem:$0x3FB5] =	sst s6  }
0xf: {  	[smem:$0x3FB6] =	sst s7  }
0x10: {  	[smem:$0x3FB7] =	sst s8  }
0x11: {  	[smem:$0x3FB8] =	sst s9;
	s0 =	simm.s32 @!p0 $0x0  }
0x12: {  	s1 =	sld [smem:$0x3F9E];
	s0 =	simm.s32 @p0 $0x1  }
0x13: {  	[smem:$0x3FB9] =	sst s0;
	s0 =	simm.s32 @!p1 $0x0  }
0x14: {  	s2 =	sld [smem:$0x3F9D];
	s0 =	simm.s32 @p1 $0x1  }
0x15: {  	[smem:$0x3FBA] =	sst s0;
	s0 =	simm.s32 @!p2 $0x0  }
0x16: {  	s3 =	sld [smem:$0x3FDB];
	s0 =	simm.s32 @p2 $0x1  }
0x17: {  	s4 =	simm.s32 $0x1BF5;
	[smem:$0x3FBC] =	sst s0  }
0x18: {  	s0 =	sld [smem:$0x3F9F];
	_ =	swait.ge [sflag:s4], $0x0  }
0x19: {  	s7 =	sld [smem:$0x3FA0]  }
0x1a: {  	s8 =	sadd.s32 $0xFFFFE003, lr  }
0x1b: {  	s9 =	sadd.s32 $0xFFFFFEF7, lr;
	s5 =	simm.s32 $0xFFFFFFFF;
	p2 =	slt.u32 s8, $0xFFFFF086  }
0x1c: {  	p1 =	slt.u32 s9, $0xF7A;
	s5 =	simm.s32 @!p2 $0x0  }
0x1d: {  	s5 =	simm.s32 @p1 $0x1;
	p0 =	seq.s32 s7, s2  }
0x1e: {  	s7 =	smul.u32 @!p0 $0xF7A, s2;
	p2 =	seq.s32 @!p0 s5, $0x0  }
0x1f: {  	s9 =	smul.u32 $0xF7A, s1;
	s8 =	simm.s32 @!p0 $0x1BF5;
	p2 =	por !p2, p0  }
0x20: {  	[sflag:s8] =	ssyncset.s32 @!p0 $0xFFFFF086;
	s6 =	sadd.s32 @!p0 s3, s7;
	s7 =	simm.s32 @!p0 $0x108  }
0x21: {  	s3 =	sadd.s32 s3, s9;
	s6 =	sadd.s32 @!p0 $0x88, s6;
	s7 =	simm.s32 @p2 $0x1082  }
0x22: {  	[simem:s7], [sflag:s8] =	dma.local @!p0 [hbm:s6], $0xF7A  }
0x23: {  	s9 =	sor.u32 $0xD0000000, s2;
	s6 =	simm.s32 $0x108;
	_ =	swait.ge @!p0 [sflag:s8], $0x0  }
0x24: {  	s3 =	sadd.s32 $0x88, s3;
	s6 =	simm.s32 @!p1 $0x1082;
	[sflag:s4] =	ssyncset.s32 $0xFFFFF086  }
0x25: {  	[simem:s6], [sflag:s4] =	dma.local [hbm:s3], $0xF7A  }
0x26: {  	[smem:$0x3FA0] =	sst s1;
	(tag) =	ssettag s2;
	_ =	strace s9  }
0x27: {  	s1 =	sld [smem:$0x3FB0]  }
0x28: {  	s2 =	sld [smem:$0x3FB1]  }
0x29: {  	s4 =	sld [smem:$0x3FB3]  }
0x2a: {  	p0 =	seq.s32 s5, $0x0;
	s5 =	sld [smem:$0x3FB4]  }
0x2b: {  	s6 =	sld [smem:$0x3FB5]  }
0x2c: {  	s7 =	sld [smem:$0x3FB6]  }
0x2d: {  	s3 =	simm.s32 $0x108;
	s8 =	sld [smem:$0x3FB7]  }
0x2e: {  	s3 =	simm.s32 @!p0 $0x1082;
	s9 =	sld [smem:$0x3FB8]  }
0x2f: {  	lr =	sadd.s32 s0, s3;
	s0 =	sld [smem:$0x3FAF]  }
0x30: {  	s3 =	sld [smem:$0x3FB2]  }
0x31: {  	[smem:$0x3FBB] =	sst s10  }
0x32: {  	s10 =	sld [smem:$0x3FB9];
	_ =	sdelay $0x3  }
0x33: {  	p0 =	seq.s32 s10, $0x1;
	s10 =	sld [smem:$0x3FBB];
	_ =	sdelay $0x3  }
0x34: {  	[smem:$0x3FBB] =	sst s10  }
0x35: {  	s10 =	sld [smem:$0x3FBA];
	_ =	sdelay $0x3  }
0x36: {  	p1 =	seq.s32 s10, $0x1;
	s10 =	sld [smem:$0x3FBB];
	_ =	sdelay $0x3  }
0x37: {  	[smem:$0x3FBB] =	sst s10  }
0x38: {  	s10 =	sld [smem:$0x3FBC]  }
0x39: {  	_ = 	snop;
	(pc) =	sbr.ind lr, $3  }
0x3a: {  	_ = 	snop  }
0x3b: {  	_ = 	snop  }
0x3c: {  	p2 =	seq.s32 s10, $0x1;
	s10 =	sld [smem:$0x3FBB]  }
0x3d: {  	_ =	shalt  }
0x3e: {  	_ =	shalt  }
0x3f: {  	_ =	shalt  }
0x40: {  	_ =	shalt  }
0x41: {  	_ =	shalt  }
0x42: {  	_ =	shalt  }
0x43: {  	_ =	shalt  }
0x44: {  	_ =	shalt  }
0x45: {  	_ =	shalt  }
0x46: {  	_ =	shalt  }
0x47: {  	_ =	shalt  }
0x48: {  	_ =	shalt  }
0x49: {  	_ =	shalt  }
0x4a: {  	_ =	shalt  }
0x4b: {  	_ =	shalt  }
0x4c: {  	_ =	shalt  }
0x4d: {  	_ =	shalt  }
0x4e: {  	_ =	shalt  }
0x4f: {  	_ =	shalt  }
0x50: {  	_ =	shalt  }
0x51: {  	_ =	shalt  }
0x52: {  	_ =	shalt  }
0x53: {  	_ =	shalt  }
0x54: {  	_ =	shalt  }
0x55: {  	_ =	shalt  }
0x56: {  	_ =	shalt  }
0x57: {  	_ =	shalt  }
0x58: {  	_ =	shalt  }
0x59: {  	_ =	shalt  }
0x5a: {  	_ =	shalt  }
0x5b: {  	_ =	shalt  }
0x5c: {  	_ =	shalt  }
0x5d: {  	_ =	shalt  }
0x5e: {  	_ =	shalt  }
0x5f: {  	_ =	shalt  }
0x60: {  	_ =	shalt  }
0x61: {  	_ =	shalt  }
0x62: {  	_ =	shalt  }
0x63: {  	_ =	shalt  }
0x64: {  	_ =	shalt  }
0x65: {  	_ =	shalt  }
0x66: {  	_ =	shalt  }
0x67: {  	_ =	shalt  }
0x68: {  	_ =	shalt  }
0x69: {  	_ =	shalt  }
0x6a: {  	_ =	shalt  }
0x6b: {  	_ =	shalt  }
0x6c: {  	_ =	shalt  }
0x6d: {  	_ =	shalt  }
0x6e: {  	_ =	shalt  }
0x6f: {  	_ =	shalt  }
0x70: {  	_ =	shalt  }
0x71: {  	_ =	shalt  }
0x72: {  	_ =	shalt  }
0x73: {  	_ =	shalt  }
0x74: {  	_ =	shalt  }
0x75: {  	_ =	shalt  }
0x76: {  	_ =	shalt  }
0x77: {  	_ =	shalt  }
0x78: {  	_ =	shalt  }
0x79: {  	_ =	shalt  }
0x7a: {  	_ =	shalt  }
0x7b: {  	_ =	shalt  }
0x7c: {  	_ =	shalt  }
0x7d: {  	_ =	shalt  }
0x7e: {  	_ =	shalt  }
0x7f: {  	_ =	shalt  }
0x80: {  	_ =	shalt  }
0x81: {  	_ =	shalt  }
0x82: {  	_ =	shalt  }
0x83: {  	_ =	shalt  }
0x84: {  	_ =	shalt  }
0x85: {  	_ =	shalt  }
0x86: {  	_ =	shalt  }
0x87: {  	_ =	shalt  }
.Lfunc_end0:
.L_simem_size_0:
called_computation.1_lowered:
.L_overlay_start_0:
0x88: {  	s2 =	sld [smem:$0x3FD9]  }
0x89: {  	s3 =	sld [smem:$0x3FFE];
	_ =	sdelay $0x1  }
0x8a: {  	s1 =	srdreg.scid  }
0x8b: {  	s0 =	sand.u32 $0x1, s1  }
0x8c: {  	s14 =	sshll.u32 s0, $0xA;
	s2 =	sadd.s32 s3, s2  }
0x8d: {  	s2 =	sadd.s32 s2, s14  }
0x8e: {  	[smem:$0x3FC7] =	sst s2  }
0x8f: {  	_ = 	snop  }
0x90: {  	s2 =	sld [smem:$0x3FD0];
	_ =	sdelay $0x2  }
0x91: {  	s4 =	simm.s32 $0xA;
	s5 =	simm.s32 $0x10;
	s15 =	sld [smem:$0x3FC9]  }
0x92: {  	[smem:s5], [sflag:s4] =	dma.local [hbm:s2], $0x1  }
0x93: {  	_ =	swait.eq [sflag:s4], $0x1  }
0x94: {  	[sflag:s4] =	ssyncset.done $0x0  }
0x95: {  	[sflag:s4] =	ssyncadd.s32 $0xFFFFFFFF  }
0x96: {  	s16 =	sld [smem:$0x10];
	(tm) =	ssettm $0x1  }
0x97: {  	s17 =	sld [smem:$0x3FFB];
	_ =	sdelay $0x3  }
0x98: {  	_ =	strace s17  }
0x99: {  	s4 =	sld [smem:$0x3FFC];
	_ =	sdelay $0x3  }
0x9a: {  	_ =	strace s4  }
0x9b: {  	s4 =	sld [smem:$0x3FFD];
	_ =	sdelay $0x3  }
0x9c: {  	_ =	strace s4  }
0x9d: {  	_ =	strace $0x8FFFFFFF  }
0x9e: {  	s18 =	sld [smem:$0x3FDB];
	_ =	sdelay $0x1  }
0x9f: {  	s19 =	simm.s32 $_scs_section_size  }
0xa0: {  	s6 =	simm.s32 $_size__tile_overlayer_lowered;
	s7 =	simm.s32 $_tile_overlayer_lowered  }
0xa1: {  	s22 =	simm.s32 $0x1BFF;
	s21 =	sshll.u32 s7, $0x1;
	s4 =	sadd.s32 s19, s18  }
0xa2: {  	s8 =	simm.s32 $0x0;
	s20 =	sshll.u32 s6, $0x1;
	s6 =	sadd.s32 s21, s4  }
0xa3: {  	[timem:s8], [sflag:s22] =	dma.local [hbm:s6], s20  }
0xa4: {  	_ =	swait.ge [sflag:s22], s20  }
0xa5: {  	s5 =	ssub.s32 $0x0, s20;
	[sflag:s22] =	ssyncset.done $0x0  }
0xa6: {  	[sflag:s22] =	ssyncadd.s32 s5;
	_ =	sdelay $0x1  }
0xa7: {  	s23 =	simm.s32 $0x1B8B  }
0xa8: {  	_ =	swait.ge [sflag:s23], $0x1  }
0xa9: {  	[sflag:s23] =	ssyncset.done $0x0  }
0xaa: {  	s25 =	simm.s32 $0x1B8E;
	s24 =	sld [smem:$0x3FFE];
	[sflag:s23] =	ssyncadd.s32 $0xFFFFFFFF  }
0xab: {  	s26 =	simm.s32 $execute0_lowered;
	[smem:$0x3FD2] =	sst s25  }
0xac: {  	s6 =	sshll.u32 s26, $0x1;
	_ =	strace $0x80000046;
	[dreg:$0x1] =	wrdreg $0xFFFFFFFF  }
0xad: {  	s28 =	simm.s32 $_size_execute0_lowered;
	s4 =	sadd.s32 s4, s6;
	[dreg:$0x0] =	wrdreg $0x0  }
0xae: {  	s6 =	sshll.u32 s28, $0x1;
	[dreg:$0x2] =	wrdreg s4  }
0xaf: {  	[dreg:$0x3] =	wrdreg s6  }
0xb0: {  	[dreg:$0x4] =	wrdreg $0xC0  }
0xb1: {  	_ =	task [dreg:s8], $0x5FFFF  }
0xb2: {  	[dreg:$0x1] =	wrdreg $0xFFFFFFFF  }
0xb3: {  	[dreg:$0x0] =	wrdreg $0x60  }
0xb4: {  	[dreg:$0x2] =	wrdreg s15  }
0xb5: {  	[dreg:$0x3] =	wrdreg s24  }
0xb6: {  	[dreg:$0x4] =	wrdreg s16  }
0xb7: {  	[dreg:$0x5] =	wrdreg $0x9  }
0xb8: {  	_ =	task.clear_ibuf [dreg:s8], $0x6FFFF;
	_ =	strace $0x90000046  }
0xb9: {  	s29 =	simm.s32 $0x9;
	_ =	strace $0x80000048  }
0xba: {  	_ =	swait.ge [sflag:s29], $0x1  }
0xbb: {  	[sflag:s29] =	ssyncadd.s32 $0xFFFFFFFF  }
0xbc: {  	_ =	strace $0x90000048  }
0xbd: {  	_ =	sfence  }
0xbe: {  	s30 =	sld [smem:$0x0];
	_ =	sdelay $0x2  }
0xbf: {  	s31 =	sshll.u32 s1, $0xD;
	s1 =	sshrl.u32 s1, $0x2  }
0xc0: {  	s3 =	sand.u32 $0x4000, s31;
	s1 =	sadd.s32 s1, s30  }
0xc1: {  	s0 =	sor.u32 s3, s0;
	s1 =	sshll.u32 s1, $0x11  }
0xc2: {  	s0 =	sor.u32 s1, s0  }
0xc3: {  	s0 =	sadd.s32 $0x8F2B, s0  }
0xc4: {  	[sflag:s0] =	ssyncadd.remote.s32 $0x1  }
0xc5: {  	_ =	sfence.sel $0xFFFF  }
0xc6: {  	[dreg:$0x0] =	wrdreg $0xFFFFFFFF;
	(pc) =	sbr.abs _section_cstart, $3  }
0xc7: {  	[dreg:$0x1] =	wrdreg $0xFFFFFFFF  }
0xc8: {  	_ =	task.clear_ibuf [dreg:s8], $0x2FFFF;
	_ =	strace $0x9FFFFFFF  }
0xc9: {  	(tm) =	ssettm $0x7FFFFFFF  }
tec
execute0_lowered:
.L_overlay_start_1:
0x0: {  	(tag) =	ssettag $0x1  }
0x1: {  	s2 =	rddreg [dreg:$0x0]  }
0x2: {  	s1 =	srdreg.scid;
	s5 =	rddreg [dreg:$0x1]  }
0x3: {  	s0 =	stileid.u32;
	s3 =	rddreg [dreg:$0x2]  }
0x4: {  	s9 =	simm.s32 $0x1;
	s10 =	simm.s32 $0x3;
	s1 =	sshll.u32 s1, $0xC  }
0x5: {  	s13 =	simm.s32 $0x0;
	s4 =	sshll.u32 s0, $0xD;
	s6 =	sand.u32 $0x1000, s1  }
0x6: {  	s12 =	simm.s32 $0x0;
	s5 =	sadd.s32 $0x108000, s5;
	s4 =	sor.u32 s4, s6  }
0x7: {  	s1 =	rddreg [dreg:$0x3];
	_ =	strace $0x80000047;
	s8 =	ssub.s32 $0x100000, s4  }
.Ltmp0:
0x8: {  	s6 =	simm.s32 $0x1;
	s7 =	sand.u32 $0x1F000, s8;
	(pc) =	sbr.rel .LBB2_1-.Ltmp0, $4  }
0x9: {  	[sflag:s6] =	ssyncpa.u1 $0x0;
	s11 =	smov.u32 s4;
	p0 =	sne.s32 s7, $0x0  }
0xa: {  	s8 =	sshrl.u32 s8, $0x11;
	s7 =	simm.s32 $0x2;
	s9 =	simm.s32 @!p0 $0x0  }
0xb: {  	[sflag:s7] =	ssyncpa.u1 $0x0;
	p0 =	por $0x0, $0x0;
	s8 =	sadd.s32 s9, s8  }
0xc: {  	vm0 =	vmmov $0xffff;
	v0 =	vlaneseq.u32;
	[sflag:s10] =	ssyncpa.u1 $0x0;
	s10 =	simm.s32 $0x0;
	s9 =	sadd.s32 $0x1, s8  }
.LBB2_4:
0xd: {  	_ =	sdelay $0x3  }
0xe: {  	[tilespmem:s22], [sflag:$0x1] =	stream.indirect_vreg.gather [hbm4b:s2+s10], $0x1, v1, vm0, $0x4038;
	[tilespmem:$0xA000] =	vst v63  }
0xf: {  	s15 =	sadd.s32 s19, s15  }
0x10: {  	v1 =	vld.msk [tilespmem:s15+$0x0 ss:$0x1], $0xffff;
	_ =	sdelay $0x4  }
0x11: {  	v2 =	vshrl.u32 v1, $0x3  }
0x12: {  	vm1 =	veq.s32 v1, $0x80000000;
	v2 =	vand.u32 $0x1FFFF, v2  }
0x13: {  	p1 =	sgt.s32 s18, $0x0;
	v1 =	vshll.u32 v1, $0x13;
	v2 =	vsel vm1, $0xFFFFFFFF, v2  }
0x14: {  	s18 =	simm.s32 @!p1 $0x0;
	v1 =	vand.u32 $0x380000, v1;
	v3 =	vshll.u32 v2, $0x2  }
0x15: {  	s25 =	smin.u32 s18, $0x10;
	v1 =	vsel vm1, $0xFFF80000, v1;
	v3 =	vand.u32 $0xFFFFFE00, v3  }
0x16: {  	v2 =	vand.u32 $0x7F, v2;
	v1 =	vadd.s32 v1, v3;
	v3 =	vmov s25  }
0x17: {  	v1 =	vor.u32 v2, v1;
	vm1 =	vgt.u32 v3, v0  }
0x18: {  	v2 =	vnsel vm1, $0x7FFFFFFF, v1;
	_ =	sdelay $0x1  }
0x19: {  	s26 =	sand.u32 $0x3E00, s16;
	v3 =	vor.u32 $0x80, v1  }
0x1a: {  	s28 =	sand.u32 $0x70, s17;
	(ifvalue) =	ssetifvalue $0x7FFFFFFF;
	s15 =	sadd.s32 s26, s14;
	v3 =	vnsel vm1, $0x7FFFFFFF, v3  }
0x1b: {  	s15 =	sadd.s32 s28, s15;
	(ifvalue) =	ssetifvalue $0x7FFFFFFF  }
0x1c: {  	v4 =	vor.u32 $0x100, v1;
	[tilespmem:s15], [sflag:$0x1] =	stream.indirect_vreg.gather [hbm4b:s2+s10], $0x1, v2, vm0, $0x4038;
	[tilespmem:$0xA000] =	vst v63  }
0x1d: {  	(ifvalue) =	ssetifvalue $0x7FFFFFFF;
	v2 =	vnsel vm1, $0x7FFFFFFF, v4  }
0x1e: {  	s16 =	sadd.s32 $0x80, s15;
	(ifvalue) =	ssetifvalue $0x7FFFFFFF  }
0x1f: {  	v1 =	vor.u32 $0x180, v1;
	[tilespmem:s16], [sflag:$0x1] =	stream.indirect_vreg.gather [hbm4b:s2+s10], $0x1, v3, vm0, $0x4038;
	[tilespmem:$0xA000] =	vst v63  }
0x20: {  	v1 =	vnsel vm1, $0x7FFFFFFF, v1;
	(ifvalue) =	ssetifvalue $0x7FFFFFFF  }
0x21: {  	s29 =	sadd.s32 $0x100, s15;
	(ifvalue) =	ssetifvalue $0x7FFFFFFF  }
0x22: {  	[tilespmem:s29], [sflag:$0x1] =	stream.indirect_vreg.gather [hbm4b:s2+s10], $0x1, v2, vm0, $0x4038;
	[tilespmem:$0xA000] =	vst v63  }
0x23: {  	(ifvalue) =	ssetifvalue $0x7FFFFFFF  }
0x24: {  	s30 =	sshll.u32 s13, $0x2;
	s15 =	sadd.s32 $0x180, s15;
	(ifvalue) =	ssetifvalue $0x7FFFFFFF  }
0x25: {  	[tilespmem:s15], [sflag:$0x1] =	stream.indirect_vreg.gather [hbm4b:s2+s10], $0x1, v1, vm0, $0x4038;
	[tilespmem:$0xA000] =	vst v63  }
0x26: {  	s31 =	sand.u32 $0x78, s13;
	s15 =	sand.u32 $0xFFFFFE00, s30  }
0x27: {  	_ =	swait.ge [sflag:s6], $0x4000;
	s13 =	sor.u32 s31, s15  }
0x28: {  	[sflag:s6] =	ssyncset.done $0x0;
	s13 =	sshrl.u32 s13, $0x3  }
0x29: {  	[sflag:s6] =	ssyncadd.s32 $0xFFFFC000;
	s13 =	sadd.s32 s3, s13  }
0x2a: {  	[hbm:s13] =	stream.linear.scatter [tilespmem:s14], [sflag:$0x3], $0x4000, $0x38;
	[tilespmem:$0xA000] =	vst v63  }
.LBB2_5:
0x2b: {  	s15 =	sadd.s32 $0x20000, s11  }
0x2c: {  	p2 =	sgt.s32 s15, $0xFFFFF  }
0x2d: {  	s15 =	smov.u32 @p2 s4;
	p2 =	sne.s32 s12, s9  }
.Ltmp1:
0x2e: {  	p1 =	slt.u32 s12, $0x2;
	(pc) =	sbr.rel @!p2 .LBB2_6-.Ltmp1, $4  }
0x2f: {  	s14 =	simm.s32 @!p1 $0x3  }
0x30: {  	s16 =	sadd.s32 $0x1, s12;
	_ =	swait.ge @!p1 [sflag:s14], $0x4000  }
0x31: {  	s13 =	smov.u32 s11;
	p0 =	por !p0, !p0;
	[sflag:s14] =	ssyncset.done @!p1 $0x0  }
0x32: {  	s12 =	smov.u32 s16;
	s11 =	smov.u32 s15;
	[sflag:s14] =	ssyncadd.s32 @!p1 $0xFFFFC000  }
.LBB2_1:
0x33: {  	p1 =	sge.u32 s12, s8  }
0x34: {  	s14 =	sxor.u32 @!p1 $0xFFFFFFFF, s12  }
0x35: {  	s31 =	sadd.s32 $0xFFFFFFFF, s12;
	s15 =	sshrl.u32 @!p1 s11, $0x3;
	s14 =	sshll.u32 @!p1 s14, $0xC  }
0x36: {  	s16 =	sand.u32 @!p1 $0x7, s11;
	s15 =	sadd.s32 @!p1 s5, s15;
	s14 =	sand.u32 @!p1 $0x1000, s14  }
0x37: {  	[tilespmem:s14], [sflag:$0x2] =	stream.linear.gather @!p1 [hbm4b:s15+s16], $0x1000, $0x38;
	[tilespmem:$0xA000] =	vst v63  }
0x38: {  	p1 =	sge.u32 s31, s8  }
.Ltmp2:
0x39: {  	_ = 	snop;
	(pc) =	sbr.rel @p1 .LBB2_5-.Ltmp2, $1  }
0x3a: {  	_ =	sdelay $0x3  }
0x3b: {  	s14 =	simm.s32 $0x1  }
0x3c: {  	_ =	swait.ge [sflag:s7], $0x1000;
	s14 =	simm.s32 @!p0 $0x0  }
0x3d: {  	[sflag:s7] =	ssyncset.done $0x0;
	s15 =	sshll.u32 s14, $0xC  }
0x3e: {  	[sflag:s7] =	ssyncadd.s32 $0xFFFFF000;
	s14 =	sadd.s32 $0x0, s15  }
0x3f: {  	v1 =	vld.msk [tilespmem:s14+$0x0 ss:$0x1], $0xffff;
	_ =	sdelay $0x3  }
0x40: {  	s17 =	ssub.s32 $0x100000, s13  }
0x41: {  	p1 =	slt.s32 s17, $0x1000;
	v2 =	vshrl.u32 v1, $0x3  }
0x42: {  	s17 =	simm.s32 @!p1 $0x1000;
	vm1 =	veq.s32 v1, $0x80000000;
	v2 =	vand.u32 $0x1FFFF, v2  }
0x43: {  	p1 =	sgt.s32 s17, $0x0;
	s14 =	smov.u32 s17;
	v1 =	vshll.u32 v1, $0x13;
	v2 =	vsel vm1, $0xFFFFFFFF, v2  }
0x44: {  	s14 =	simm.s32 @!p1 $0x0;
	v1 =	vand.u32 $0x380000, v1;
	v3 =	vshll.u32 v2, $0x2  }
0x45: {  	s14 =	smin.u32 s14, $0x10;
	v1 =	vsel vm1, $0xFFF80000, v1;
	v3 =	vand.u32 $0xFFFFFE00, v3  }
0x46: {  	v2 =	vand.u32 $0x7F, v2;
	v1 =	vadd.s32 v1, v3;
	v3 =	vmov s14  }
0x47: {  	v1 =	vor.u32 v2, v1;
	vm1 =	vgt.u32 v3, v0  }
0x48: {  	s31 =	sshll.u32 s12, $0xE;
	v2 =	vnsel vm1, $0x7FFFFFFF, v1  }
0x49: {  	s16 =	simm.s32 $0x0;
	s14 =	sand.u32 $0x4000, s31  }
0x4a: {  	s18 =	sand.u32 $0x3E00, s16;
	s14 =	sor.u32 $0x2000, s14;
	v3 =	vor.u32 $0x80, v1  }
0x4b: {  	s16 =	sand.u32 $0x70, s16;
	(ifvalue) =	ssetifvalue $0x7FFFFFFF;
	s18 =	sadd.s32 s18, s14;
	v3 =	vnsel vm1, $0x7FFFFFFF, v3  }
0x4c: {  	(ifvalue) =	ssetifvalue $0x7FFFFFFF;
	s20 =	sadd.s32 s16, s18  }
0x4d: {  	v4 =	vor.u32 $0x100, v1;
	[tilespmem:s20], [sflag:$0x1] =	stream.indirect_vreg.gather [hbm4b:s2+s10], $0x1, v2, vm0, $0x4038;
	[tilespmem:$0xA000] =	vst v63  }
0x4e: {  	(ifvalue) =	ssetifvalue $0x7FFFFFFF;
	v2 =	vnsel vm1, $0x7FFFFFFF, v4  }
0x4f: {  	s16 =	sadd.s32 $0x80, s20;
	(ifvalue) =	ssetifvalue $0x7FFFFFFF  }
0x50: {  	v1 =	vor.u32 $0x180, v1;
	[tilespmem:s16], [sflag:$0x1] =	stream.indirect_vreg.gather [hbm4b:s2+s10], $0x1, v3, vm0, $0x4038;
	[tilespmem:$0xA000] =	vst v63  }
0x51: {  	s19 =	simm.s32 $0x10;
	v1 =	vnsel vm1, $0x7FFFFFFF, v1;
	(ifvalue) =	ssetifvalue $0x7FFFFFFF  }
0x52: {  	s21 =	simm.s32 $0x80;
	s18 =	sadd.s32 $0x100, s20;
	(ifvalue) =	ssetifvalue $0x7FFFFFFF  }
0x53: {  	[tilespmem:s18], [sflag:$0x1] =	stream.indirect_vreg.gather [hbm4b:s2+s10], $0x1, v2, vm0, $0x4038;
	[tilespmem:$0xA000] =	vst v63  }
0x54: {  	s22 =	sadd.s32 $0x180, s20;
	s16 =	simm.s32 $0x40;
	(ifvalue) =	ssetifvalue $0x7FFFFFFF  }
0x55: {  	s18 =	sadd.s32 $0xFFFFFFF0, s17;
	s17 =	simm.s32 $0x10;
	(ifvalue) =	ssetifvalue $0x7FFFFFFF  }
.LBB2_3:
0x56: {  	[tilespmem:s22], [sflag:$0x1] =	stream.indirect_vreg.gather [hbm4b:s2+s10], $0x1, v1, vm0, $0x4038;
	[tilespmem:$0xA000] =	vst v63  }
0x57: {  	s22 =	smov.u32 s21  }
0x58: {  	s20 =	sadd.s32 $0x40, s21;
	s23 =	sadd.s32 s19, s15;
	s19 =	sshra.s32 s22, $0x2  }
0x59: {  	p1 =	sne.s32 s21, $0x3FC0;
	v1 =	vld.msk [tilespmem:s23+$0x0 ss:$0x1], $0xffff  }
0x5a: {  	(ifvalue) =	ssetifvalue $0x7FFFFFFF;
	_ =	sdelay $0x4  }
0x5b: {  	v2 =	vshrl.u32 v1, $0x3;
	v3 =	vshll.u32 v1, $0x13  }
0x5c: {  	vm1 =	veq.s32 v1, $0x80000000;
	v1 =	vand.u32 $0x1FFFF, v2;
	v2 =	vand.u32 $0x380000, v3  }
0x5d: {  	p2 =	sgt.s32 s18, $0x0;
	s21 =	smov.u32 s18;
	v1 =	vsel vm1, $0xFFFFFFFF, v1;
	v2 =	vsel vm1, $0xFFF80000, v2  }
0x5e: {  	s21 =	simm.s32 @!p2 $0x0;
	v3 =	vshll.u32 v1, $0x2  }
0x5f: {  	s21 =	smin.u32 s21, $0x10;
	v3 =	vand.u32 $0xFFFFFE00, v3  }
0x60: {  	v1 =	vand.u32 $0x7F, v1;
	v2 =	vadd.s32 v2, v3;
	v3 =	vmov s21  }
0x61: {  	v1 =	vor.u32 v1, v2;
	vm1 =	vgt.u32 v3, v0  }
0x62: {  	v2 =	vnsel vm1, $0x7FFFFFFF, v1;
	v3 =	vor.u32 $0x80, v1;
	v4 =	vor.u32 $0x100, v1  }
0x63: {  	v1 =	vor.u32 $0x180, v1  }
0x64: {  	s21 =	sand.u32 $0x3E00, s16;
	s16 =	smov.u32 s22  }
0x65: {  	s22 =	sand.u32 $0x70, s17;
	s21 =	sadd.s32 s21, s14;
	v3 =	vnsel vm1, $0x7FFFFFFF, v3  }
0x66: {  	s21 =	sadd.s32 s22, s21;
	(ifvalue) =	ssetifvalue $0x7FFFFFFF  }
0x67: {  	[tilespmem:s21], [sflag:$0x1] =	stream.indirect_vreg.gather [hbm4b:s2+s10], $0x1, v2, vm0, $0x4038;
	[tilespmem:$0xA000] =	vst v63  }
0x68: {  	v2 =	vnsel vm1, $0x7FFFFFFF, v4;
	(ifvalue) =	ssetifvalue $0x7FFFFFFF  }
0x69: {  	s22 =	sadd.s32 $0x80, s21;
	(ifvalue) =	ssetifvalue $0x7FFFFFFF  }
0x6a: {  	[tilespmem:s22], [sflag:$0x1] =	stream.indirect_vreg.gather [hbm4b:s2+s10], $0x1, v3, vm0, $0x4038;
	[tilespmem:$0xA000] =	vst v63  }
.Ltmp3:
0x6b: {  	v1 =	vnsel vm1, $0x7FFFFFFF, v1;
	(ifvalue) =	ssetifvalue $0x7FFFFFFF;
	(pc) =	sbr.rel @p1 .LBB2_3-.Ltmp3, $4  }
0x6c: {  	s22 =	sadd.s32 $0x100, s21;
	(ifvalue) =	ssetifvalue $0x7FFFFFFF  }
0x6d: {  	[tilespmem:s22], [sflag:$0x1] =	stream.indirect_vreg.gather [hbm4b:s2+s10], $0x1, v2, vm0, $0x4038;
	[tilespmem:$0xA000] =	vst v63  }
0x6e: {  	s18 =	sadd.s32 $0xFFFFFFF0, s18;
	s17 =	sadd.s32 $0x10, s17;
	(ifvalue) =	ssetifvalue $0x7FFFFFFF  }
0x6f: {  	s22 =	sadd.s32 $0x180, s21;
	s21 =	smov.u32 s20;
	(ifvalue) =	ssetifvalue $0x7FFFFFFF  }
.Ltmp4:
0x70: {  	_ = 	snop;
	(pc) =	sbr.rel .LBB2_4-.Ltmp4, $1  }
0x71: {  	_ =	sdelay $0x3  }
.LBB2_6:
0x72: {  	_ =	sfence.sel $0x180000  }
0x73: {  	s2 =	simm.s32 $0x2;
	[bflag:$0x0] =	sbarrier.arrive $0xFFFF  }
0x74: {  	s30 =	simm.s32 $0x3;
	[sflag:s2] =	ssyncpa.u1 $0x1  }
0x75: {  	s31 =	simm.s32 $0x1;
	[sflag:s30] =	ssyncpa.u1 $0x1  }
0x76: {  	[sflag:s31] =	ssyncpa.u1 $0x1  }
0x77: {  	p0 =	sne.s32 s0, $0x0;
	_ =	strace $0x90000047  }
0x78: {  	s0 =	sadd.s32 @!p0 $0x100000, s1;
	[bflag:$0x2] =	sbarrier.arrive $0xFFFF  }
0x79: {  	[sflag:s0] =	ssyncadd.tile.s32 @!p0 $0x1;
	_ =	shalt  }
.Lfunc_end2:
_tile_overlayer_lowered:
.L_overlay_start_2:
0x7a: {  	(tag) =	ssettag $0x2  }
0x7b: {  	s0 =	rddreg [dreg:$0x0];
	s2 =	stileid.u32  }
0x7c: {  	s1 =	rddreg [dreg:$0x1];
	p0 =	sne.s32 s2, $0x0  }
0x7d: {  	s3 =	rddreg [dreg:$0x2];
	[bflag:$0x3] =	sbarrier.arrive $0xFFFF;
	s2 =	simm.s32 @!p0 $0x1C01  }
0x7e: {  	[timem:s3], [sflag:s2] =	dma.local @!p0 [hbm:s0], s1  }
0x7f: {  	s0 =	simm.s32 @!p0 $0x1  }
0x80: {  	_ =	swait.ge @!p0 [sflag:s0], s1  }
0x81: {  	s1 =	ssub.s32 @!p0 $0x0, s1;
	[sflag:s0] =	ssyncset.done @!p0 $0x0  }
0x82: {  	[sflag:s0] =	ssyncadd.s32 @!p0 s1  }
0x83: {  	[bflag:$0x3] =	sbarrier.arrive $0xFFFF  }
0x84: {  	_ =	shalt  }

// kernel: scatter_offload_async_start
scs
__scs_entry_jumppad:
0x0: {  	(pc) =	sbr.rel $0x88, $3  }
0x1: {  	(tag) =	ssettag $0x0;
	lr =	simm.s32 $0x1  }
0x2: {  	[smem:$0x3FA0] =	sst lr;
	_ =	strace $0xD0000000  }
0x3: {  	_ = 	snop  }
0x4: {  	_ = 	snop  }
0x5: {  	_ = 	snop  }
0x6: {  	_ = 	snop  }
0x7: {  	_ = 	snop  }
__scs_overlays_trampoline_lowered:
0x8: {  	[smem:$0x3FAF] =	sst s0  }
0x9: {  	[smem:$0x3FB0] =	sst s1  }
0xa: {  	[smem:$0x3FB1] =	sst s2  }
0xb: {  	[smem:$0x3FB2] =	sst s3  }
0xc: {  	[smem:$0x3FB3] =	sst s4  }
0xd: {  	[smem:$0x3FB4] =	sst s5  }
0xe: {  	[smem:$0x3FB5] =	sst s6  }
0xf: {  	[smem:$0x3FB6] =	sst s7  }
0x10: {  	[smem:$0x3FB7] =	sst s8  }
0x11: {  	[smem:$0x3FB8] =	sst s9;
	s0 =	simm.s32 @!p0 $0x0  }
0x12: {  	s1 =	sld [smem:$0x3F9E];
	s0 =	simm.s32 @p0 $0x1  }
0x13: {  	[smem:$0x3FB9] =	sst s0;
	s0 =	simm.s32 @!p1 $0x0  }
0x14: {  	s2 =	sld [smem:$0x3F9D];
	s0 =	simm.s32 @p1 $0x1  }
0x15: {  	[smem:$0x3FBA] =	sst s0;
	s0 =	simm.s32 @!p2 $0x0  }
0x16: {  	s3 =	sld [smem:$0x3FDB];
	s0 =	simm.s32 @p2 $0x1  }
0x17: {  	s4 =	simm.s32 $0x1BF5;
	[smem:$0x3FBC] =	sst s0  }
0x18: {  	s0 =	sld [smem:$0x3F9F];
	_ =	swait.ge [sflag:s4], $0x0  }
0x19: {  	s7 =	sld [smem:$0x3FA0]  }
0x1a: {  	s8 =	sadd.s32 $0xFFFFE003, lr  }
0x1b: {  	s9 =	sadd.s32 $0xFFFFFEF7, lr;
	s5 =	simm.s32 $0xFFFFFFFF;
	p2 =	slt.u32 s8, $0xFFFFF086  }
0x1c: {  	p1 =	slt.u32 s9, $0xF7A;
	s5 =	simm.s32 @!p2 $0x0  }
0x1d: {  	s5 =	simm.s32 @p1 $0x1;
	p0 =	seq.s32 s7, s2  }
0x1e: {  	s7 =	smul.u32 @!p0 $0xF7A, s2;
	p2 =	seq.s32 @!p0 s5, $0x0  }
0x1f: {  	s9 =	smul.u32 $0xF7A, s1;
	s8 =	simm.s32 @!p0 $0x1BF5;
	p2 =	por !p2, p0  }
0x20: {  	[sflag:s8] =	ssyncset.s32 @!p0 $0xFFFFF086;
	s6 =	sadd.s32 @!p0 s3, s7;
	s7 =	simm.s32 @!p0 $0x108  }
0x21: {  	s3 =	sadd.s32 s3, s9;
	s6 =	sadd.s32 @!p0 $0x88, s6;
	s7 =	simm.s32 @p2 $0x1082  }
0x22: {  	[simem:s7], [sflag:s8] =	dma.local @!p0 [hbm:s6], $0xF7A  }
0x23: {  	s9 =	sor.u32 $0xD0000000, s2;
	s6 =	simm.s32 $0x108;
	_ =	swait.ge @!p0 [sflag:s8], $0x0  }
0x24: {  	s3 =	sadd.s32 $0x88, s3;
	s6 =	simm.s32 @!p1 $0x1082;
	[sflag:s4] =	ssyncset.s32 $0xFFFFF086  }
0x25: {  	[simem:s6], [sflag:s4] =	dma.local [hbm:s3], $0xF7A  }
0x26: {  	[smem:$0x3FA0] =	sst s1;
	(tag) =	ssettag s2;
	_ =	strace s9  }
0x27: {  	s1 =	sld [smem:$0x3FB0]  }
0x28: {  	s2 =	sld [smem:$0x3FB1]  }
0x29: {  	s4 =	sld [smem:$0x3FB3]  }
0x2a: {  	p0 =	seq.s32 s5, $0x0;
	s5 =	sld [smem:$0x3FB4]  }
0x2b: {  	s6 =	sld [smem:$0x3FB5]  }
0x2c: {  	s7 =	sld [smem:$0x3FB6]  }
0x2d: {  	s3 =	simm.s32 $0x108;
	s8 =	sld [smem:$0x3FB7]  }
0x2e: {  	s3 =	simm.s32 @!p0 $0x1082;
	s9 =	sld [smem:$0x3FB8]  }
0x2f: {  	lr =	sadd.s32 s0, s3;
	s0 =	sld [smem:$0x3FAF]  }
0x30: {  	s3 =	sld [smem:$0x3FB2]  }
0x31: {  	[smem:$0x3FBB] =	sst s10  }
0x32: {  	s10 =	sld [smem:$0x3FB9];
	_ =	sdelay $0x3  }
0x33: {  	p0 =	seq.s32 s10, $0x1;
	s10 =	sld [smem:$0x3FBB];
	_ =	sdelay $0x3  }
0x34: {  	[smem:$0x3FBB] =	sst s10  }
0x35: {  	s10 =	sld [smem:$0x3FBA];
	_ =	sdelay $0x3  }
0x36: {  	p1 =	seq.s32 s10, $0x1;
	s10 =	sld [smem:$0x3FBB];
	_ =	sdelay $0x3  }
0x37: {  	[smem:$0x3FBB] =	sst s10  }
0x38: {  	s10 =	sld [smem:$0x3FBC]  }
0x39: {  	_ = 	snop;
	(pc) =	sbr.ind lr, $3  }
0x3a: {  	_ = 	snop  }
0x3b: {  	_ = 	snop  }
0x3c: {  	p2 =	seq.s32 s10, $0x1;
	s10 =	sld [smem:$0x3FBB]  }
0x3d: {  	_ =	shalt  }
0x3e: {  	_ =	shalt  }
0x3f: {  	_ =	shalt  }
0x40: {  	_ =	shalt  }
0x41: {  	_ =	shalt  }
0x42: {  	_ =	shalt  }
0x43: {  	_ =	shalt  }
0x44: {  	_ =	shalt  }
0x45: {  	_ =	shalt  }
0x46: {  	_ =	shalt  }
0x47: {  	_ =	shalt  }
0x48: {  	_ =	shalt  }
0x49: {  	_ =	shalt  }
0x4a: {  	_ =	shalt  }
0x4b: {  	_ =	shalt  }
0x4c: {  	_ =	shalt  }
0x4d: {  	_ =	shalt  }
0x4e: {  	_ =	shalt  }
0x4f: {  	_ =	shalt  }
0x50: {  	_ =	shalt  }
0x51: {  	_ =	shalt  }
0x52: {  	_ =	shalt  }
0x53: {  	_ =	shalt  }
0x54: {  	_ =	shalt  }
0x55: {  	_ =	shalt  }
0x56: {  	_ =	shalt  }
0x57: {  	_ =	shalt  }
0x58: {  	_ =	shalt  }
0x59: {  	_ =	shalt  }
0x5a: {  	_ =	shalt  }
0x5b: {  	_ =	shalt  }
0x5c: {  	_ =	shalt  }
0x5d: {  	_ =	shalt  }
0x5e: {  	_ =	shalt  }
0x5f: {  	_ =	shalt  }
0x60: {  	_ =	shalt  }
0x61: {  	_ =	shalt  }
0x62: {  	_ =	shalt  }
0x63: {  	_ =	shalt  }
0x64: {  	_ =	shalt  }
0x65: {  	_ =	shalt  }
0x66: {  	_ =	shalt  }
0x67: {  	_ =	shalt  }
0x68: {  	_ =	shalt  }
0x69: {  	_ =	shalt  }
0x6a: {  	_ =	shalt  }
0x6b: {  	_ =	shalt  }
0x6c: {  	_ =	shalt  }
0x6d: {  	_ =	shalt  }
0x6e: {  	_ =	shalt  }
0x6f: {  	_ =	shalt  }
0x70: {  	_ =	shalt  }
0x71: {  	_ =	shalt  }
0x72: {  	_ =	shalt  }
0x73: {  	_ =	shalt  }
0x74: {  	_ =	shalt  }
0x75: {  	_ =	shalt  }
0x76: {  	_ =	shalt  }
0x77: {  	_ =	shalt  }
0x78: {  	_ =	shalt  }
0x79: {  	_ =	shalt  }
0x7a: {  	_ =	shalt  }
0x7b: {  	_ =	shalt  }
0x7c: {  	_ =	shalt  }
0x7d: {  	_ =	shalt  }
0x7e: {  	_ =	shalt  }
0x7f: {  	_ =	shalt  }
0x80: {  	_ =	shalt  }
0x81: {  	_ =	shalt  }
0x82: {  	_ =	shalt  }
0x83: {  	_ =	shalt  }
0x84: {  	_ =	shalt  }
0x85: {  	_ =	shalt  }
0x86: {  	_ =	shalt  }
0x87: {  	_ =	shalt  }
.Lfunc_end0:
.L_simem_size_0:
called_computation_lowered:
.L_overlay_start_0:
0x88: {  	s0 =	sld [smem:$0x3FD9]  }
0x89: {  	s1 =	sld [smem:$0x3FFE];
	_ =	sdelay $0x3  }
0x8a: {  	s0 =	sadd.s32 s1, s0  }
0x8b: {  	[smem:$0x3FC7] =	sst s0  }
0x8c: {  	_ = 	snop  }
0x8d: {  	s0 =	sld [smem:$0x3FD0];
	_ =	sdelay $0x2  }
0x8e: {  	s13 =	simm.s32 $0xA;
	s2 =	simm.s32 $0x10  }
0x8f: {  	[smem:s2], [sflag:s13] =	dma.local [hbm:s0], $0x1  }
0x90: {  	_ =	swait.eq [sflag:s13], $0x1  }
0x91: {  	[sflag:s13] =	ssyncset.done $0x0  }
0x92: {  	[sflag:s13] =	ssyncadd.s32 $0xFFFFFFFF  }
0x93: {  	s14 =	sld [smem:$0x13];
	(tm) =	ssettm $0x1  }
0x94: {  	s15 =	sld [smem:$0x3FFB];
	_ =	sdelay $0x3  }
0x95: {  	_ =	strace s15  }
0x96: {  	s1 =	sld [smem:$0x3FFC];
	_ =	sdelay $0x3  }
0x97: {  	_ =	strace s1  }
0x98: {  	s1 =	sld [smem:$0x3FFD];
	_ =	sdelay $0x3  }
0x99: {  	_ =	strace s1  }
0x9a: {  	_ =	strace $0x8FFFFFFF  }
0x9b: {  	s16 =	sld [smem:$0x3FDB];
	_ =	sdelay $0x1  }
0x9c: {  	s17 =	simm.s32 $_scs_section_size  }
0x9d: {  	s3 =	simm.s32 $_size__tile_overlayer_lowered;
	s4 =	simm.s32 $_tile_overlayer_lowered  }
0x9e: {  	s20 =	simm.s32 $0x1BFF;
	s19 =	sshll.u32 s4, $0x1;
	s1 =	sadd.s32 s17, s16  }
0x9f: {  	s5 =	simm.s32 $0x0;
	s18 =	sshll.u32 s3, $0x1;
	s3 =	sadd.s32 s19, s1  }
0xa0: {  	[timem:s5], [sflag:s20] =	dma.local [hbm:s3], s18  }
0xa1: {  	_ =	swait.ge [sflag:s20], s18  }
0xa2: {  	s2 =	ssub.s32 $0x0, s18;
	[sflag:s20] =	ssyncset.done $0x0  }
0xa3: {  	[sflag:s20] =	ssyncadd.s32 s2;
	_ =	sdelay $0x1  }
0xa4: {  	s21 =	simm.s32 $0x1B8B  }
0xa5: {  	_ =	swait.ge [sflag:s21], $0x1  }
0xa6: {  	[sflag:s21] =	ssyncset.done $0x0  }
0xa7: {  	s23 =	simm.s32 $0x1B8E;
	s22 =	sld [smem:$0x3FFE];
	[sflag:s21] =	ssyncadd.s32 $0xFFFFFFFF  }
0xa8: {  	s24 =	simm.s32 $execute0_lowered;
	[smem:$0x3FD2] =	sst s23  }
0xa9: {  	s3 =	sshll.u32 s24, $0x1;
	_ =	strace $0x80000049;
	[dreg:$0x1] =	wrdreg $0xFFFFFFFF  }
0xaa: {  	s25 =	simm.s32 $_size_execute0_lowered;
	s1 =	sadd.s32 s1, s3;
	[dreg:$0x0] =	wrdreg $0x0  }
0xab: {  	s3 =	sshll.u32 s25, $0x1;
	[dreg:$0x2] =	wrdreg s1  }
0xac: {  	[dreg:$0x3] =	wrdreg s3  }
0xad: {  	[dreg:$0x4] =	wrdreg $0xC0  }
0xae: {  	_ =	task [dreg:s5], $0x5FFFF  }
0xaf: {  	[dreg:$0x1] =	wrdreg $0xFFFFFFFF  }
0xb0: {  	[dreg:$0x0] =	wrdreg $0x60  }
0xb1: {  	[dreg:$0x2] =	wrdreg s14  }
0xb2: {  	[dreg:$0x3] =	wrdreg s22  }
0xb3: {  	[dreg:$0x4] =	wrdreg $0x9  }
0xb4: {  	_ =	task.clear_ibuf [dreg:s5], $0x5FFFF;
	_ =	strace $0x90000049  }
0xb5: {  	s26 =	simm.s32 $0x9;
	_ =	strace $0x8000004B  }
0xb6: {  	_ =	swait.ge [sflag:s26], $0x1  }
0xb7: {  	[sflag:s26] =	ssyncadd.s32 $0xFFFFFFFF  }
0xb8: {  	_ =	strace $0x9000004B  }
0xb9: {  	_ =	sfence  }
0xba: {  	s28 =	sld [smem:$0x0];
	_ =	sdelay $0x1  }
0xbb: {  	s29 =	srdreg.scid  }
0xbc: {  	s30 =	sshll.u32 s29, $0xD;
	s31 =	sshrl.u32 s29, $0x2  }
0xbd: {  	s2 =	sand.u32 $0x4000, s30;
	s1 =	sand.u32 $0x1, s29;
	s0 =	sadd.s32 s31, s28  }
0xbe: {  	s1 =	sor.u32 s2, s1;
	s0 =	sshll.u32 s0, $0x11  }
0xbf: {  	s0 =	sor.u32 s0, s1  }
0xc0: {  	s0 =	sadd.s32 $0x8F2B, s0  }
0xc1: {  	[sflag:s0] =	ssyncadd.remote.s32 $0x1  }
0xc2: {  	_ =	sfence.sel $0xFFFF  }
0xc3: {  	[dreg:$0x0] =	wrdreg $0xFFFFFFFF;
	(pc) =	sbr.abs _section_cstart, $3  }
0xc4: {  	[dreg:$0x1] =	wrdreg $0xFFFFFFFF  }
0xc5: {  	_ =	task.clear_ibuf [dreg:s5], $0x2FFFF;
	_ =	strace $0x9FFFFFFF  }
0xc6: {  	(tm) =	ssettm $0x7FFFFFFF  }
0xc7: {  	_ =	shalt  }
tec
execute0_lowered:
.L_overlay_start_1:
0x0: {  	(tag) =	ssettag $0x1  }
0x1: {  	s1 =	rddreg [dreg:$0x0]  }
0x2: {  	s2 =	rddreg [dreg:$0x1]  }
0x3: {  	s0 =	rddreg [dreg:$0x2];
	s5 =	stileid.u32  }
0x4: {  	_ =	strace $0x8000004A;
	s3 =	simm.s32 $0x3E;
	p0 =	sne.s32 s5, $0x0  }
0x5: {  	[sflag:s3] =	ssyncpa.u1 $0x0;
	s4 =	simm.s32 @!p0 $0x1C3E;
	s6 =	simm.s32 @!p0 $0x0  }
0x6: {  	[spmem:s6], [sflag:s4] =	dma.local @!p0 [hbm:s1], $0x4E80  }
0x7: {  	s4 =	simm.s32 @!p0 $0x3E  }
0x8: {  	_ =	swait.ge @!p0 [sflag:s4], $0x4E80  }
0x9: {  	[sflag:s4] =	ssyncset.done @!p0 $0x0  }
.Ltmp0:
0xa: {  	s7 =	simm.s32 $0x2;
	[sflag:s4] =	ssyncadd.s32 @!p0 $0xFFFFB180;
	(pc) =	sbr.rel .LBB2_1-.Ltmp0, $4  }
0xb: {  	s8 =	simm.s32 $0x0;
	s9 =	simm.s32 $0x0;
	[bflag:$0x0] =	sbarrier.arrive $0xFFFF  }
0xc: {  	s5 =	sshll.u32 s5, $0x10;
	[sflag:s3] =	ssyncpa.u1 $0x1;
	s3 =	simm.s32 $0x1  }
0xd: {  	s10 =	smov.u32 s5;
	s6 =	sadd.s32 $0x10000, s5;
	[sflag:s3] =	ssyncpa.u1 $0x0  }
0xe: {  	vm0 =	vmmov $0xffff;
	s4 =	sadd.s32 $0x20000, s2;
	(ifvalue) =	ssetifvalue $0x27400;
	[sflag:s7] =	ssyncpa.u1 $0x0  }
.LBB2_5:
0xf: {  	s9 =	sadd.s32 $0x1, s9  }
0x10: {  	p2 =	sne.s32 s9, $0x9  }
.Ltmp1:
0x11: {  	_ = 	snop;
	(pc) =	sbr.rel @!p2 .LBB2_6-.Ltmp1, $4  }
0x12: {  	_ = 	snop  }
0x13: {  	s11 =	sadd.s32 $0x2000, s10  }
0x14: {  	s10 =	smov.u32 s5;
	p1 =	slt.s32 s11, s6  }
0x15: {  	s10 =	smov.u32 @p1 s11  }
.LBB2_1:
0x16: {  	p1 =	seq.s32 s9, $0x8  }
0x17: {  	s11 =	sshll.u32 @!p1 s9, $0xD;
	p2 =	seq.s32 @!p1 s9, $0x0  }
0x18: {  	s11 =	sand.u32 @!p1 $0x2000, s11;
	p2 =	por p1, !p2  }
.Ltmp2:
0x19: {  	s13 =	sshrl.u32 @!p1 s10, $0x3;
	s12 =	sxor.u32 @!p1 $0x2000, s11;
	(pc) =	sbr.rel @!p2 .LBB2_5-.Ltmp2, $4  }
0x1a: {  	s16 =	sand.u32 @!p1 $0x7, s10;
	s14 =	sadd.s32 @!p1 s2, s13;
	s15 =	sadd.s32 @!p1 $0x2740, s12  }
0x1b: {  	[tilespmem:s15], [sflag:$0x2] =	stream.linear.gather @!p1 [hbm4b:s14+s16], $0x2000, $0x38;
	[tilespmem:$0xA740] =	vst v63  }
0x1c: {  	s13 =	sadd.s32 @!p1 s4, s13;
	s12 =	sadd.s32 @!p1 $0x6740, s12  }
0x1d: {  	[tilespmem:s12], [sflag:$0x2] =	stream.linear.gather @!p1 [hbm4b:s13+s16], $0x2000, $0x38;
	[tilespmem:$0xA740] =	vst v63  }
0x1e: {  	_ =	swait.ge [sflag:s7], $0x4000  }
0x1f: {  	s11 =	simm.s32 @p1 $0x0;
	[sflag:s7] =	ssyncset.done $0x0  }
0x20: {  	s13 =	sadd.s32 $0x2740, s11;
	[sflag:s7] =	ssyncadd.s32 $0xFFFFC000  }
0x21: {  	v0 =	vld.msk [tilespmem:s13+$0x0 ss:$0x1], $0xffff;
	_ =	sdelay $0x4  }
0x22: {  	v0 =	vmin.u32 v0, $0x27400;
	_ =	sdelay $0x3  }
0x23: {  	s12 =	simm.s32 $0x0;
	s11 =	sadd.s32 $0x6740, s11;
	s13 =	sadd.s32 $0x10, s13  }
0x24: {  	[spmem:s8] =	stream.indirect_vreg.scatter.add.s32 [tilespmem:s11], [sflag:$0x1], $0x1, v0, vm0, $0x4038;
	[tilespmem:$0xA740] =	vst v63  }
.LBB2_3:
0x25: {  	v0 =	vld.msk [tilespmem:s13+$0x0 ss:$0x1], $0xffff;
	s12 =	sadd.s32 $0x10, s12  }
0x26: {  	p1 =	slt.u32 s12, $0x1FF0;
	_ =	sdelay $0x4  }
0x27: {  	v0 =	vmin.u32 v0, $0x27400  }
.Ltmp3:
0x28: {  	(pc) =	sbr.rel @p1 .LBB2_3-.Ltmp3, $3  }
0x29: {  	_ =	sdelay $0x1  }
0x2a: {  	s13 =	sadd.s32 $0x10, s13;
	s11 =	sadd.s32 $0x10, s11  }
0x2b: {  	[spmem:s8] =	stream.indirect_vreg.scatter.add.s32 [tilespmem:s11], [sflag:$0x1], $0x1, v0, vm0, $0x4038;
	[tilespmem:$0xA740] =	vst v63  }
.Ltmp4:
0x2c: {  	(pc) =	sbr.rel .LBB2_5-.Ltmp4, $4  }
0x2d: {  	_ = 	snop  }
0x2e: {  	_ =	swait.ge [sflag:s3], $0x2000  }
0x2f: {  	[sflag:s3] =	ssyncset.done $0x0  }
0x30: {  	[sflag:s3] =	ssyncadd.s32 $0xFFFFE000  }
.LBB2_6:
0x31: {  	_ =	sfence.sel $0x180000  }
0x32: {  	s2 =	simm.s32 $0x2;
	[bflag:$0x0] =	sbarrier.arrive $0xFFFF  }
0x33: {  	s30 =	simm.s32 $0x1;
	[sflag:s2] =	ssyncpa.u1 $0x1  }
0x34: {  	[sflag:s30] =	ssyncpa.u1 $0x1  }
0x35: {  	_ =	sfence.stream.spmem  }
0x36: {  	s31 =	simm.s32 $0x3D;
	[bflag:$0x0] =	sbarrier.arrive $0xFFFF  }
0x37: {  	s2 =	simm.s32 @p0 $0x3D;
	[sflag:s31] =	ssyncpa.u1 $0x0  }
0x38: {  	[sflag:s2] =	ssyncpa.u1 @p0 $0x1  }
0x39: {  	[bflag:$0x0] =	sbarrier.arrive @p0 $0xFFFF  }
0x3a: {  	_ =	strace @p0 $0x9000004A  }
0x3b: {  	s3 =	simm.s32 @!p0 $0x1C3D;
	s2 =	simm.s32 @!p0 $0x0;
	[bflag:$0x2] =	sbarrier.arrive @p0 $0xFFFF  }
0x3c: {  	[hbm:s1], [sflag:s3] =	dma.local @!p0 [spmem:s2], $0x4E80  }
0x3d: {  	s1 =	simm.s32 @!p0 $0x3D  }
0x3e: {  	_ =	swait.ge @!p0 [sflag:s1], $0x4E80  }
0x3f: {  	[sflag:s1] =	ssyncset.done @!p0 $0x0  }
0x40: {  	[sflag:s1] =	ssyncadd.s32 @!p0 $0xFFFFB180  }
0x41: {  	[sflag:s1] =	ssyncpa.u1 @!p0 $0x1  }
0x42: {  	[bflag:$0x0] =	sbarrier.arrive @!p0 $0xFFFF  }
0x43: {  	_ =	strace @!p0 $0x9000004A  }
0x44: {  	s0 =	sadd.s32 @!p0 $0x100000, s0;
	[bflag:$0x2] =	sbarrier.arrive @!p0 $0xFFFF  }
0x45: {  	[sflag:s0] =	ssyncadd.tile.s32 @!p0 $0x1;
	_ =	shalt  }
.Lfunc_end2:
_tile_overlayer_lowered:
.L_overlay_start_2:
0x46: {  	(tag) =	ssettag $0x2  }
0x47: {  	s0 =	rddreg [dreg:$0x0];
	s2 =	stileid.u32  }
0x48: {  	s1 =	rddreg [dreg:$0x1];
	p0 =	sne.s32 s2, $0x0  }
0x49: {  	s3 =	rddreg [dreg:$0x2];
	[bflag:$0x3] =	sbarrier.arrive $0xFFFF;
	s2 =	simm.s32 @!p0 $0x1C01  }
0x4a: {  	[timem:s3], [sflag:s2] =	dma.local @!p0 [hbm:s0], s1  }
0x4b: {  	s0 =	simm.s32 @!p0 $0x1  }
0x4c: {  	_ =	swait.ge @!p0 [sflag:s0], s1  }
0x4d: {  	s1 =	ssub.s32 @!p0 $0x0, s1;
	[sflag:s0] =	ssyncset.done @!p0 $0x0  }
0x4e: {  	[sflag:s0] =	ssyncadd.s32 @!p0 s1  }
0x4f: {  	[bflag:$0x3] =	sbarrier.arrive $0xFFFF  }
0x50: {  	_ =	shalt  }

</sc_bundles>
